<compile_context>
chip_gen: v7x
topology: tpu7x:2x2x1
jax: 0.10.2.dev20260603
libtpu: 0.0.44.dev20260713+nightly
codegen_flags: <defaults>
</compile_context>

<pallas_src>
import jax
import jax.numpy as jnp
from jax import lax
from jax.experimental import pallas as pl
from jax.experimental.pallas import tpu as pltpu
from jax.experimental.pallas import tpu_sc as plsc

NC = 2
NS = 16
NW = NC * NS
LP = 128
CP = 64
NBUF = 8


def _emb_body(table_hbm, idx_hbm, out_hbm, idx_raw, idx_c, bufs, gsem, ssem):
    wid = lax.axis_index("s") * NC + lax.axis_index("c")
    n_e = idx_hbm.shape[0] // NW
    S = out_hbm.shape[1]
    e0 = wid * n_e
    pltpu.sync_copy(idx_hbm.at[pl.ds(e0, n_e)], idx_raw)

    @pl.loop(0, n_e)
    def compact(e):
        for k in range(CP // 16):
            idx_c[pl.ds(e * CP + k * 16, 16)] = idx_raw[e, pl.ds(k * 16, 16)]

    def start_gather(e, b):
        pltpu.make_async_copy(
            table_hbm.at[idx_c.at[pl.ds(e * CP, 56)]],
            bufs.at[b], gsem).start()

    def wait_gather():
        pltpu.make_async_copy(
            table_hbm.at[pl.ds(0, 56)], bufs.at[0], gsem).wait()

    def wait_scatter():
        pltpu.make_async_copy(bufs.at[0, pl.ds(0, S)], out_hbm.at[0], ssem).wait()

    for b in range(NBUF - 1):
        start_gather(b, b)

    @pl.loop(0, n_e)
    def entry(e):
        b = lax.rem(e, NBUF)
        wait_gather()
        pltpu.make_async_copy(bufs.at[b, pl.ds(0, S)], out_hbm.at[e0 + e], ssem).start()

        @pl.when(e >= 1)
        def _():
            wait_scatter()

        @pl.when(e + (NBUF - 1) < n_e)
        def _():
            start_gather(e + (NBUF - 1), lax.rem(e + (NBUF - 1), NBUF))

    wait_scatter()


def kernel(x, W):
    B, S = x.shape
    V, D = W.shape
    idx = jnp.pad(x.astype(jnp.int32), ((0, 0), (0, LP - S)), mode="edge")
    n_e = B // NW
    mesh = plsc.VectorSubcoreMesh(core_axis_name="c", subcore_axis_name="s")
    run = pl.kernel(
        _emb_body,
        out_type=jax.ShapeDtypeStruct((B, S, D), jnp.float32),
        mesh=mesh,
        scratch_types=[
            pltpu.VMEM((n_e, LP), jnp.int32),
            pltpu.VMEM((n_e * CP,), jnp.int32),
            pltpu.VMEM((NBUF, 56, D), jnp.float32),
            pltpu.SemaphoreType.DMA,
            pltpu.SemaphoreType.DMA,
        ],
    )
    return run(W, idx)

# --- scband reference (transcript-rebuilt; emitter-appended) ---
"""Pipeline reference for scband-embedding-35897336660704 (READ-ONLY COPY).

The authoritative reference and input builder live on the scoring server;
editing this copy changes nothing except your own understanding.
"""

import jax, jax.numpy as jnp
import numpy as np

NUM_EMBEDDINGS = 100000
EMBEDDING_DIM = 128

def setup_inputs(seed: int = 0) -> dict:
    key = jax.random.key(seed)
    k_idx, k_w = jax.random.split(key)
    x = jax.random.randint(k_idx, (4096, 50), 0, NUM_EMBEDDINGS, dtype=jnp.int64 if jax.config.jax_enable_x64 else jnp.int32)
    # nn.init.uniform_ defaults to U[0, 1)
    W = jax.random.uniform(k_w, (NUM_EMBEDDINGS, EMBEDDING_DIM), dtype=jnp.float32)
    return {"x": x, "W": W}

def reference(x, W):
    # Embedding lookup: W[x] -> [4096, 50, 128]
    return jnp.take(W, x, axis=0)

if __name__ == "__main__":
    import jax
    _d = setup_inputs()
    print(jax.jit(kernel)(*tuple(_d.values())))

</pallas_src>

<mosaic_0001>
#map = affine_map<(d0, d1) -> (0, 0)>
#map1 = affine_map<(d0, d1) -> (0, 0, 0)>
module attributes {stable_mosaic.version = 14 : i64} {
  func.func @_emb_body(%arg0: i32, %arg1: i32, %arg2: memref<100000x128xf32, #tpu.memory_space<hbm>>, %arg3: memref<4096x128xi32, #tpu.memory_space<hbm>>, %arg4: memref<4096x50x128xf32, #tpu.memory_space<hbm>>, %arg5: memref<128x128xi32, #tpu.memory_space<vmem>>, %arg6: memref<8192xi32, #tpu.memory_space<vmem>>, %arg7: memref<8x56x128xf32, #tpu.memory_space<vmem>>, %arg8: memref<!tpu.dma_semaphore, #tpu.memory_space<semaphore_mem>>, %arg9: memref<!tpu.dma_semaphore, #tpu.memory_space<semaphore_mem>>) attributes {dimension_semantics = [#tpu.dimension_semantics<core_parallel>, #tpu.dimension_semantics<subcore_parallel>], iteration_bounds = array<i64: 2, 16>, scalar_prefetch = 0 : i64, scratch_operands = 5 : i64, tpu.core_type = #tpu.core_type<sc_vector_subcore>, window_params = [{transform_indices = #map}, {transform_indices = #map}, {transform_indices = #map1}]} {
    %mul3A = arith.constant 2 : i32
    %mul3A_0 = arith.muli %arg1, %mul3A : i32
    %add3A = arith.addi %mul3A_0, %arg0 : i32
    %mul3A_1 = arith.constant 128 : i32
    %mul3A_2 = arith.muli %add3A, %mul3A_1 : i32
    "tpu.region"() ({
      %run_scoped3A = tpu.sem_alloc : memref<!tpu.dma_semaphore, #tpu.memory_space<semaphore_mem>>
      %dma_start3A_98 = arith.constant 0 : i32
      %dma_start3A_99 = tpu.memref_slice %arg3[%mul3A_2, %dma_start3A_98] : memref<4096x128xi32, #tpu.memory_space<hbm>> -> memref<128x128xi32, #tpu.memory_space<hbm>>
      %dma_start3A_100 = arith.constant 0 : i32
      %dma_start3A_101 = tpu.memref_slice %arg3[%mul3A_2, %dma_start3A_100] : memref<4096x128xi32, #tpu.memory_space<hbm>> -> memref<128x128xi32, #tpu.memory_space<hbm>>
      tpu.enqueue_dma source(%dma_start3A_101 : memref<128x128xi32, #tpu.memory_space<hbm>>) target(%arg5 : memref<128x128xi32, #tpu.memory_space<vmem>>) target_semaphore(%run_scoped3A : memref<!tpu.dma_semaphore, #tpu.memory_space<semaphore_mem>>)
      %dma_wait3A_102 = arith.constant 0 : i32
      %dma_wait3A_103 = tpu.memref_slice %arg3[%mul3A_2, %dma_wait3A_102] : memref<4096x128xi32, #tpu.memory_space<hbm>> -> memref<128x128xi32, #tpu.memory_space<hbm>>
      %dma_wait3A_104 = arith.constant 0 : i32
      %dma_wait3A_105 = tpu.memref_slice %arg3[%mul3A_2, %dma_wait3A_104] : memref<4096x128xi32, #tpu.memory_space<hbm>> -> memref<128x128xi32, #tpu.memory_space<hbm>>
      tpu.wait_dma2 semaphore(%run_scoped3A : memref<!tpu.dma_semaphore, #tpu.memory_space<semaphore_mem>>) src(%dma_wait3A_105 : memref<128x128xi32, #tpu.memory_space<hbm>>) dst(%arg5 : memref<128x128xi32, #tpu.memory_space<vmem>>)
      tpu.yield
    }) : () -> ()
    %scan3A = arith.constant 0 : i32
    %scan3A_3 = arith.constant 128 : i32
    %scan3A_4 = arith.addi %scan3A, %scan3A_3 : i32
    %scan3A_5 = arith.constant 1 : i32
    scf.for %scan3A_98 = %scan3A to %scan3A_4 step %scan3A_5  : i32 {
      %mul3A_99 = arith.constant 1 : i32
      %mul3A_100 = arith.muli %scan3A_98, %mul3A_99 : i32
      %add3A_101 = arith.constant 0 : i32
      %add3A_102 = arith.addi %add3A_101, %mul3A_100 : i32
      %get3A = arith.index_cast %add3A_102 : i32 to index
      %get3A_103 = arith.constant 0 : index
      %get3A_104 = tpu.vector_load %arg5[%get3A, %get3A_103] {strides = array<i32>} : memref<128x128xi32, #tpu.memory_space<vmem>>, vector<1x16xi32>,
      %get3A_105 = vector.shape_cast %get3A_104 : vector<1x16xi32> to vector<16xi32>
      %mul3A_106 = arith.constant 64 : i32
      %mul3A_107 = arith.muli %add3A_102, %mul3A_106 : i32
      %add3A_108 = arith.constant 0 : i32
      %add3A_109 = arith.addi %mul3A_107, %add3A_108 : i32
      %swap3A = arith.index_cast %add3A_109 : i32 to index
      %swap3A_110 = tpu.vector_load %arg6[%swap3A] {strides = array<i32>} : memref<8192xi32, #tpu.memory_space<vmem>>, vector<16xi32>,
      %swap3A_111 = vector.shape_cast %swap3A_110 : vector<16xi32> to vector<16xi32>
      %swap3A_112 = vector.shape_cast %get3A_105 : vector<16xi32> to vector<16xi32>
      tpu.vector_store %arg6[%swap3A], %swap3A_112 {strides = array<i32>} : memref<8192xi32, #tpu.memory_space<vmem>>, vector<16xi32>,
      %get3A_113 = arith.index_cast %add3A_102 : i32 to index
      %get3A_114 = arith.constant 16 : index
      %get3A_115 = tpu.vector_load %arg5[%get3A_113, %get3A_114] {strides = array<i32>} : memref<128x128xi32, #tpu.memory_space<vmem>>, vector<1x16xi32>,
      %get3A_116 = vector.shape_cast %get3A_115 : vector<1x16xi32> to vector<16xi32>
      %mul3A_117 = arith.constant 64 : i32
      %mul3A_118 = arith.muli %add3A_102, %mul3A_117 : i32
      %add3A_119 = arith.constant 16 : i32
      %add3A_120 = arith.addi %mul3A_118, %add3A_119 : i32
      %swap3A_121 = arith.index_cast %add3A_120 : i32 to index
      %swap3A_122 = tpu.vector_load %arg6[%swap3A_121] {strides = array<i32>} : memref<8192xi32, #tpu.memory_space<vmem>>, vector<16xi32>,
      %swap3A_123 = vector.shape_cast %swap3A_122 : vector<16xi32> to vector<16xi32>
      %swap3A_124 = vector.shape_cast %get3A_116 : vector<16xi32> to vector<16xi32>
      tpu.vector_store %arg6[%swap3A_121], %swap3A_124 {strides = array<i32>} : memref<8192xi32, #tpu.memory_space<vmem>>, vector<16xi32>,
      %get3A_125 = arith.index_cast %add3A_102 : i32 to index
      %get3A_126 = arith.constant 32 : index
      %get3A_127 = tpu.vector_load %arg5[%get3A_125, %get3A_126] {strides = array<i32>} : memref<128x128xi32, #tpu.memory_space<vmem>>, vector<1x16xi32>,
      %get3A_128 = vector.shape_cast %get3A_127 : vector<1x16xi32> to vector<16xi32>
      %mul3A_129 = arith.constant 64 : i32
      %mul3A_130 = arith.muli %add3A_102, %mul3A_129 : i32
      %add3A_131 = arith.constant 32 : i32
      %add3A_132 = arith.addi %mul3A_130, %add3A_131 : i32
      %swap3A_133 = arith.index_cast %add3A_132 : i32 to index
      %swap3A_134 = tpu.vector_load %arg6[%swap3A_133] {strides = array<i32>} : memref<8192xi32, #tpu.memory_space<vmem>>, vector<16xi32>,
      %swap3A_135 = vector.shape_cast %swap3A_134 : vector<16xi32> to vector<16xi32>
      %swap3A_136 = vector.shape_cast %get3A_128 : vector<16xi32> to vector<16xi32>
      tpu.vector_store %arg6[%swap3A_133], %swap3A_136 {strides = array<i32>} : memref<8192xi32, #tpu.memory_space<vmem>>, vector<16xi32>,
      %get3A_137 = arith.index_cast %add3A_102 : i32 to index
      %get3A_138 = arith.constant 48 : index
      %get3A_139 = tpu.vector_load %arg5[%get3A_137, %get3A_138] {strides = array<i32>} : memref<128x128xi32, #tpu.memory_space<vmem>>, vector<1x16xi32>,
      %get3A_140 = vector.shape_cast %get3A_139 : vector<1x16xi32> to vector<16xi32>
      %mul3A_141 = arith.constant 64 : i32
      %mul3A_142 = arith.muli %add3A_102, %mul3A_141 : i32
      %add3A_143 = arith.constant 48 : i32
      %add3A_144 = arith.addi %mul3A_142, %add3A_143 : i32
      %swap3A_145 = arith.index_cast %add3A_144 : i32 to index
      %swap3A_146 = tpu.vector_load %arg6[%swap3A_145] {strides = array<i32>} : memref<8192xi32, #tpu.memory_space<vmem>>, vector<16xi32>,
      %swap3A_147 = vector.shape_cast %swap3A_146 : vector<16xi32> to vector<16xi32>
      %swap3A_148 = vector.shape_cast %get3A_140 : vector<16xi32> to vector<16xi32>
      tpu.vector_store %arg6[%swap3A_145], %swap3A_148 {strides = array<i32>} : memref<8192xi32, #tpu.memory_space<vmem>>, vector<16xi32>,
    }
    %scan3A_6 = arith.constant 128 : i32
    %dma_start3A = arith.constant 0 : i32
    %dma_start3A_7 = arith.constant 0 : i32
    %dma_start3A_8 = arith.constant 0 : i32
    %dma_start3A_9 = tpu.memref_slice %arg7[%dma_start3A, %dma_start3A_7, %dma_start3A_8] : memref<8x56x128xf32, #tpu.memory_space<vmem>> -> memref<1x56x128xf32, #tpu.memory_space<vmem>>
    %dma_start3A_10 = tpu.memref_squeeze %dma_start3A_9 : memref<1x56x128xf32, #tpu.memory_space<vmem>> -> memref<56x128xf32, #tpu.memory_space<vmem>>
    %dma_start3A_11 = arith.constant 0 : i32
    %dma_start3A_12 = tpu.memref_slice %arg6[%dma_start3A_11] : memref<8192xi32, #tpu.memory_space<vmem>> -> memref<56xi32, #tpu.memory_space<vmem>>
    %dma_start3A_13 = arith.constant 0 : i32
    %dma_start3A_14 = arith.constant 0 : i32
    %dma_start3A_15 = tpu.memref_slice %arg2[%dma_start3A_13, %dma_start3A_14] : memref<100000x128xf32, #tpu.memory_space<hbm>> -> memref<100000x128xf32, #tpu.memory_space<hbm>>
    tpu.enqueue_indirect_dma source(%dma_start3A_15 : memref<100000x128xf32, #tpu.memory_space<hbm>>) target(%dma_start3A_10 : memref<56x128xf32, #tpu.memory_space<vmem>>) offsets(%dma_start3A_12 : memref<56xi32, #tpu.memory_space<vmem>>) semaphore(%arg8 : memref<!tpu.dma_semaphore, #tpu.memory_space<semaphore_mem>>)
    %dma_start3A_16 = arith.constant 1 : i32
    %dma_start3A_17 = arith.constant 0 : i32
    %dma_start3A_18 = arith.constant 0 : i32
    %dma_start3A_19 = tpu.memref_slice %arg7[%dma_start3A_16, %dma_start3A_17, %dma_start3A_18] : memref<8x56x128xf32, #tpu.memory_space<vmem>> -> memref<1x56x128xf32, #tpu.memory_space<vmem>>
    %dma_start3A_20 = tpu.memref_squeeze %dma_start3A_19 : memref<1x56x128xf32, #tpu.memory_space<vmem>> -> memref<56x128xf32, #tpu.memory_space<vmem>>
    %dma_start3A_21 = arith.constant 64 : i32
    %dma_start3A_22 = tpu.memref_slice %arg6[%dma_start3A_21] : memref<8192xi32, #tpu.memory_space<vmem>> -> memref<56xi32, #tpu.memory_space<vmem>>
    %dma_start3A_23 = arith.constant 0 : i32
    %dma_start3A_24 = arith.constant 0 : i32
    %dma_start3A_25 = tpu.memref_slice %arg2[%dma_start3A_23, %dma_start3A_24] : memref<100000x128xf32, #tpu.memory_space<hbm>> -> memref<100000x128xf32, #tpu.memory_space<hbm>>
    tpu.enqueue_indirect_dma source(%dma_start3A_25 : memref<100000x128xf32, #tpu.memory_space<hbm>>) target(%dma_start3A_20 : memref<56x128xf32, #tpu.memory_space<vmem>>) offsets(%dma_start3A_22 : memref<56xi32, #tpu.memory_space<vmem>>) semaphore(%arg8 : memref<!tpu.dma_semaphore, #tpu.memory_space<semaphore_mem>>)
    %dma_start3A_26 = arith.constant 2 : i32
    %dma_start3A_27 = arith.constant 0 : i32
    %dma_start3A_28 = arith.constant 0 : i32
    %dma_start3A_29 = tpu.memref_slice %arg7[%dma_start3A_26, %dma_start3A_27, %dma_start3A_28] : memref<8x56x128xf32, #tpu.memory_space<vmem>> -> memref<1x56x128xf32, #tpu.memory_space<vmem>>
    %dma_start3A_30 = tpu.memref_squeeze %dma_start3A_29 : memref<1x56x128xf32, #tpu.memory_space<vmem>> -> memref<56x128xf32, #tpu.memory_space<vmem>>
    %dma_start3A_31 = arith.constant 128 : i32
    %dma_start3A_32 = tpu.memref_slice %arg6[%dma_start3A_31] : memref<8192xi32, #tpu.memory_space<vmem>> -> memref<56xi32, #tpu.memory_space<vmem>>
    %dma_start3A_33 = arith.constant 0 : i32
    %dma_start3A_34 = arith.constant 0 : i32
    %dma_start3A_35 = tpu.memref_slice %arg2[%dma_start3A_33, %dma_start3A_34] : memref<100000x128xf32, #tpu.memory_space<hbm>> -> memref<100000x128xf32, #tpu.memory_space<hbm>>
    tpu.enqueue_indirect_dma source(%dma_start3A_35 : memref<100000x128xf32, #tpu.memory_space<hbm>>) target(%dma_start3A_30 : memref<56x128xf32, #tpu.memory_space<vmem>>) offsets(%dma_start3A_32 : memref<56xi32, #tpu.memory_space<vmem>>) semaphore(%arg8 : memref<!tpu.dma_semaphore, #tpu.memory_space<semaphore_mem>>)
    %dma_start3A_36 = arith.constant 3 : i32
    %dma_start3A_37 = arith.constant 0 : i32
    %dma_start3A_38 = arith.constant 0 : i32
    %dma_start3A_39 = tpu.memref_slice %arg7[%dma_start3A_36, %dma_start3A_37, %dma_start3A_38] : memref<8x56x128xf32, #tpu.memory_space<vmem>> -> memref<1x56x128xf32, #tpu.memory_space<vmem>>
    %dma_start3A_40 = tpu.memref_squeeze %dma_start3A_39 : memref<1x56x128xf32, #tpu.memory_space<vmem>> -> memref<56x128xf32, #tpu.memory_space<vmem>>
    %dma_start3A_41 = arith.constant 192 : i32
    %dma_start3A_42 = tpu.memref_slice %arg6[%dma_start3A_41] : memref<8192xi32, #tpu.memory_space<vmem>> -> memref<56xi32, #tpu.memory_space<vmem>>
    %dma_start3A_43 = arith.constant 0 : i32
    %dma_start3A_44 = arith.constant 0 : i32
    %dma_start3A_45 = tpu.memref_slice %arg2[%dma_start3A_43, %dma_start3A_44] : memref<100000x128xf32, #tpu.memory_space<hbm>> -> memref<100000x128xf32, #tpu.memory_space<hbm>>
    tpu.enqueue_indirect_dma source(%dma_start3A_45 : memref<100000x128xf32, #tpu.memory_space<hbm>>) target(%dma_start3A_40 : memref<56x128xf32, #tpu.memory_space<vmem>>) offsets(%dma_start3A_42 : memref<56xi32, #tpu.memory_space<vmem>>) semaphore(%arg8 : memref<!tpu.dma_semaphore, #tpu.memory_space<semaphore_mem>>)
    %dma_start3A_46 = arith.constant 4 : i32
    %dma_start3A_47 = arith.constant 0 : i32
    %dma_start3A_48 = arith.constant 0 : i32
    %dma_start3A_49 = tpu.memref_slice %arg7[%dma_start3A_46, %dma_start3A_47, %dma_start3A_48] : memref<8x56x128xf32, #tpu.memory_space<vmem>> -> memref<1x56x128xf32, #tpu.memory_space<vmem>>
    %dma_start3A_50 = tpu.memref_squeeze %dma_start3A_49 : memref<1x56x128xf32, #tpu.memory_space<vmem>> -> memref<56x128xf32, #tpu.memory_space<vmem>>
    %dma_start3A_51 = arith.constant 256 : i32
    %dma_start3A_52 = tpu.memref_slice %arg6[%dma_start3A_51] : memref<8192xi32, #tpu.memory_space<vmem>> -> memref<56xi32, #tpu.memory_space<vmem>>
    %dma_start3A_53 = arith.constant 0 : i32
    %dma_start3A_54 = arith.constant 0 : i32
    %dma_start3A_55 = tpu.memref_slice %arg2[%dma_start3A_53, %dma_start3A_54] : memref<100000x128xf32, #tpu.memory_space<hbm>> -> memref<100000x128xf32, #tpu.memory_space<hbm>>
    tpu.enqueue_indirect_dma source(%dma_start3A_55 : memref<100000x128xf32, #tpu.memory_space<hbm>>) target(%dma_start3A_50 : memref<56x128xf32, #tpu.memory_space<vmem>>) offsets(%dma_start3A_52 : memref<56xi32, #tpu.memory_space<vmem>>) semaphore(%arg8 : memref<!tpu.dma_semaphore, #tpu.memory_space<semaphore_mem>>)
    %dma_start3A_56 = arith.constant 5 : i32
    %dma_start3A_57 = arith.constant 0 : i32
    %dma_start3A_58 = arith.constant 0 : i32
    %dma_start3A_59 = tpu.memref_slice %arg7[%dma_start3A_56, %dma_start3A_57, %dma_start3A_58] : memref<8x56x128xf32, #tpu.memory_space<vmem>> -> memref<1x56x128xf32, #tpu.memory_space<vmem>>
    %dma_start3A_60 = tpu.memref_squeeze %dma_start3A_59 : memref<1x56x128xf32, #tpu.memory_space<vmem>> -> memref<56x128xf32, #tpu.memory_space<vmem>>
    %dma_start3A_61 = arith.constant 320 : i32
    %dma_start3A_62 = tpu.memref_slice %arg6[%dma_start3A_61] : memref<8192xi32, #tpu.memory_space<vmem>> -> memref<56xi32, #tpu.memory_space<vmem>>
    %dma_start3A_63 = arith.constant 0 : i32
    %dma_start3A_64 = arith.constant 0 : i32
    %dma_start3A_65 = tpu.memref_slice %arg2[%dma_start3A_63, %dma_start3A_64] : memref<100000x128xf32, #tpu.memory_space<hbm>> -> memref<100000x128xf32, #tpu.memory_space<hbm>>
    tpu.enqueue_indirect_dma source(%dma_start3A_65 : memref<100000x128xf32, #tpu.memory_space<hbm>>) target(%dma_start3A_60 : memref<56x128xf32, #tpu.memory_space<vmem>>) offsets(%dma_start3A_62 : memref<56xi32, #tpu.memory_space<vmem>>) semaphore(%arg8 : memref<!tpu.dma_semaphore, #tpu.memory_space<semaphore_mem>>)
    %dma_start3A_66 = arith.constant 6 : i32
    %dma_start3A_67 = arith.constant 0 : i32
    %dma_start3A_68 = arith.constant 0 : i32
    %dma_start3A_69 = tpu.memref_slice %arg7[%dma_start3A_66, %dma_start3A_67, %dma_start3A_68] : memref<8x56x128xf32, #tpu.memory_space<vmem>> -> memref<1x56x128xf32, #tpu.memory_space<vmem>>
    %dma_start3A_70 = tpu.memref_squeeze %dma_start3A_69 : memref<1x56x128xf32, #tpu.memory_space<vmem>> -> memref<56x128xf32, #tpu.memory_space<vmem>>
    %dma_start3A_71 = arith.constant 384 : i32
    %dma_start3A_72 = tpu.memref_slice %arg6[%dma_start3A_71] : memref<8192xi32, #tpu.memory_space<vmem>> -> memref<56xi32, #tpu.memory_space<vmem>>
    %dma_start3A_73 = arith.constant 0 : i32
    %dma_start3A_74 = arith.constant 0 : i32
    %dma_start3A_75 = tpu.memref_slice %arg2[%dma_start3A_73, %dma_start3A_74] : memref<100000x128xf32, #tpu.memory_space<hbm>> -> memref<100000x128xf32, #tpu.memory_space<hbm>>
    tpu.enqueue_indirect_dma source(%dma_start3A_75 : memref<100000x128xf32, #tpu.memory_space<hbm>>) target(%dma_start3A_70 : memref<56x128xf32, #tpu.memory_space<vmem>>) offsets(%dma_start3A_72 : memref<56xi32, #tpu.memory_space<vmem>>) semaphore(%arg8 : memref<!tpu.dma_semaphore, #tpu.memory_space<semaphore_mem>>)
    %scan3A_76 = arith.constant 0 : i32
    %scan3A_77 = arith.constant 128 : i32
    %scan3A_78 = arith.addi %scan3A_76, %scan3A_77 : i32
    %scan3A_79 = arith.constant 1 : i32
    scf.for %scan3A_98 = %scan3A_76 to %scan3A_78 step %scan3A_79  : i32 {
      %mul3A_99 = arith.constant 1 : i32
      %mul3A_100 = arith.muli %scan3A_98, %mul3A_99 : i32
      %add3A_101 = arith.constant 0 : i32
      %add3A_102 = arith.addi %add3A_101, %mul3A_100 : i32
      %rem3A = arith.constant 8 : i32
      %rem3A_103 = arith.remsi %add3A_102, %rem3A : i32
      %dma_wait3A_104 = arith.constant 0 : i32
      %dma_wait3A_105 = arith.constant 0 : i32
      %dma_wait3A_106 = arith.constant 0 : i32
      %dma_wait3A_107 = tpu.memref_slice %arg7[%dma_wait3A_104, %dma_wait3A_105, %dma_wait3A_106] : memref<8x56x128xf32, #tpu.memory_space<vmem>> -> memref<1x56x128xf32, #tpu.memory_space<vmem>>
      %dma_wait3A_108 = tpu.memref_squeeze %dma_wait3A_107 : memref<1x56x128xf32, #tpu.memory_space<vmem>> -> memref<56x128xf32, #tpu.memory_space<vmem>>
      %dma_wait3A_109 = arith.constant 0 : i32
      %dma_wait3A_110 = arith.constant 0 : i32
      %dma_wait3A_111 = tpu.memref_slice %arg2[%dma_wait3A_109, %dma_wait3A_110] : memref<100000x128xf32, #tpu.memory_space<hbm>> -> memref<56x128xf32, #tpu.memory_space<hbm>>
      %dma_wait3A_112 = arith.constant 0 : i32
      %dma_wait3A_113 = arith.constant 0 : i32
      %dma_wait3A_114 = tpu.memref_slice %arg7[%dma_wait3A_104, %dma_wait3A_112, %dma_wait3A_113] : memref<8x56x128xf32, #tpu.memory_space<vmem>> -> memref<1x56x128xf32, #tpu.memory_space<vmem>>
      %dma_wait3A_115 = tpu.memref_squeeze %dma_wait3A_114 : memref<1x56x128xf32, #tpu.memory_space<vmem>> -> memref<56x128xf32, #tpu.memory_space<vmem>>
      %dma_wait3A_116 = arith.constant 0 : i32
      %dma_wait3A_117 = arith.constant 0 : i32
      %dma_wait3A_118 = tpu.memref_slice %arg2[%dma_wait3A_116, %dma_wait3A_117] : memref<100000x128xf32, #tpu.memory_space<hbm>> -> memref<56x128xf32, #tpu.memory_space<hbm>>
      tpu.wait_dma2 semaphore(%arg8 : memref<!tpu.dma_semaphore, #tpu.memory_space<semaphore_mem>>) src(%dma_wait3A_118 : memref<56x128xf32, #tpu.memory_space<hbm>>) dst(%dma_wait3A_115 : memref<56x128xf32, #tpu.memory_space<vmem>>)
      %add3A_119 = arith.addi %mul3A_2, %add3A_102 : i32
      %dma_start3A_120 = arith.constant 0 : i32
      %dma_start3A_121 = arith.constant 0 : i32
      %dma_start3A_122 = tpu.memref_slice %arg7[%rem3A_103, %dma_start3A_120, %dma_start3A_121] : memref<8x56x128xf32, #tpu.memory_space<vmem>> -> memref<1x50x128xf32, #tpu.memory_space<vmem>>
      %dma_start3A_123 = tpu.memref_squeeze %dma_start3A_122 : memref<1x50x128xf32, #tpu.memory_space<vmem>> -> memref<50x128xf32, #tpu.memory_space<vmem>>
      %dma_start3A_124 = arith.constant 0 : i32
      %dma_start3A_125 = arith.constant 0 : i32
      %dma_start3A_126 = tpu.memref_slice %arg4[%add3A_119, %dma_start3A_124, %dma_start3A_125] : memref<4096x50x128xf32, #tpu.memory_space<hbm>> -> memref<1x50x128xf32, #tpu.memory_space<hbm>>
      %dma_start3A_127 = tpu.memref_squeeze %dma_start3A_126 : memref<1x50x128xf32, #tpu.memory_space<hbm>> -> memref<50x128xf32, #tpu.memory_space<hbm>>
      %dma_start3A_128 = arith.constant 0 : i32
      %dma_start3A_129 = arith.constant 0 : i32
      %dma_start3A_130 = tpu.memref_slice %arg4[%add3A_119, %dma_start3A_128, %dma_start3A_129] : memref<4096x50x128xf32, #tpu.memory_space<hbm>> -> memref<1x50x128xf32, #tpu.memory_space<hbm>>
      %dma_start3A_131 = tpu.memref_squeeze %dma_start3A_130 : memref<1x50x128xf32, #tpu.memory_space<hbm>> -> memref<50x128xf32, #tpu.memory_space<hbm>>
      %dma_start3A_132 = arith.constant 0 : i32
      %dma_start3A_133 = arith.constant 0 : i32
      %dma_start3A_134 = tpu.memref_slice %arg7[%rem3A_103, %dma_start3A_132, %dma_start3A_133] : memref<8x56x128xf32, #tpu.memory_space<vmem>> -> memref<1x50x128xf32, #tpu.memory_space<vmem>>
      %dma_start3A_135 = tpu.memref_squeeze %dma_start3A_134 : memref<1x50x128xf32, #tpu.memory_space<vmem>> -> memref<50x128xf32, #tpu.memory_space<vmem>>
      tpu.enqueue_dma source(%dma_start3A_135 : memref<50x128xf32, #tpu.memory_space<vmem>>) target(%dma_start3A_131 : memref<50x128xf32, #tpu.memory_space<hbm>>) target_semaphore(%arg9 : memref<!tpu.dma_semaphore, #tpu.memory_space<semaphore_mem>>)
      %ge3A = arith.constant 1 : i32
      %ge3A_136 = arith.cmpi sge, %add3A_102, %ge3A : i32
      %convert_element_type3A = arith.extui %ge3A_136 : i1 to i32
      %cond3A = arith.constant 0 : i32
      %cond3A_137 = arith.cmpi ne, %convert_element_type3A, %cond3A : i32
      scf.if %cond3A_137 {
        %dma_wait3A_144 = arith.constant 0 : i32
        %dma_wait3A_145 = arith.constant 0 : i32
        %dma_wait3A_146 = arith.constant 0 : i32
        %dma_wait3A_147 = arith.constant 0 : i32
        %dma_wait3A_148 = tpu.memref_slice %arg7[%dma_wait3A_144, %dma_wait3A_146, %dma_wait3A_147] : memref<8x56x128xf32, #tpu.memory_space<vmem>> -> memref<1x50x128xf32, #tpu.memory_space<vmem>>
        %dma_wait3A_149 = tpu.memref_squeeze %dma_wait3A_148 : memref<1x50x128xf32, #tpu.memory_space<vmem>> -> memref<50x128xf32, #tpu.memory_space<vmem>>
        %dma_wait3A_150 = arith.constant 0 : i32
        %dma_wait3A_151 = arith.constant 0 : i32
        %dma_wait3A_152 = tpu.memref_slice %arg4[%dma_wait3A_145, %dma_wait3A_150, %dma_wait3A_151] : memref<4096x50x128xf32, #tpu.memory_space<hbm>> -> memref<1x50x128xf32, #tpu.memory_space<hbm>>
        %dma_wait3A_153 = tpu.memref_squeeze %dma_wait3A_152 : memref<1x50x128xf32, #tpu.memory_space<hbm>> -> memref<50x128xf32, #tpu.memory_space<hbm>>
        %dma_wait3A_154 = arith.constant 0 : i32
        %dma_wait3A_155 = arith.constant 0 : i32
        %dma_wait3A_156 = tpu.memref_slice %arg4[%dma_wait3A_145, %dma_wait3A_154, %dma_wait3A_155] : memref<4096x50x128xf32, #tpu.memory_space<hbm>> -> memref<1x50x128xf32, #tpu.memory_space<hbm>>
        %dma_wait3A_157 = tpu.memref_squeeze %dma_wait3A_156 : memref<1x50x128xf32, #tpu.memory_space<hbm>> -> memref<50x128xf32, #tpu.memory_space<hbm>>
        %dma_wait3A_158 = arith.constant 0 : i32
        %dma_wait3A_159 = arith.constant 0 : i32
        %dma_wait3A_160 = tpu.memref_slice %arg7[%dma_wait3A_144, %dma_wait3A_158, %dma_wait3A_159] : memref<8x56x128xf32, #tpu.memory_space<vmem>> -> memref<1x50x128xf32, #tpu.memory_space<vmem>>
        %dma_wait3A_161 = tpu.memref_squeeze %dma_wait3A_160 : memref<1x50x128xf32, #tpu.memory_space<vmem>> -> memref<50x128xf32, #tpu.memory_space<vmem>>
        tpu.wait_dma2 semaphore(%arg9 : memref<!tpu.dma_semaphore, #tpu.memory_space<semaphore_mem>>) src(%dma_wait3A_161 : memref<50x128xf32, #tpu.memory_space<vmem>>) dst(%dma_wait3A_157 : memref<50x128xf32, #tpu.memory_space<hbm>>)
      } else {
      }
      %add3A_138 = arith.constant 7 : i32
      %add3A_139 = arith.addi %add3A_102, %add3A_138 : i32
      %lt3A = arith.constant 128 : i32
      %lt3A_140 = arith.cmpi slt, %add3A_139, %lt3A : i32
      %convert_element_type3A_141 = arith.extui %lt3A_140 : i1 to i32
      %cond3A_142 = arith.constant 0 : i32
      %cond3A_143 = arith.cmpi ne, %convert_element_type3A_141, %cond3A_142 : i32
      scf.if %cond3A_143 {
        %add3A_144 = arith.constant 7 : i32
        %add3A_145 = arith.addi %add3A_102, %add3A_144 : i32
        %add3A_146 = arith.constant 7 : i32
        %add3A_147 = arith.addi %add3A_102, %add3A_146 : i32
        %rem3A_148 = arith.constant 8 : i32
        %rem3A_149 = arith.remsi %add3A_147, %rem3A_148 : i32
        %mul3A_150 = arith.constant 64 : i32
        %mul3A_151 = arith.muli %add3A_145, %mul3A_150 : i32
        %dma_start3A_152 = arith.constant 0 : i32
        %dma_start3A_153 = arith.constant 0 : i32
        %dma_start3A_154 = tpu.memref_slice %arg7[%rem3A_149, %dma_start3A_152, %dma_start3A_153] : memref<8x56x128xf32, #tpu.memory_space<vmem>> -> memref<1x56x128xf32, #tpu.memory_space<vmem>>
        %dma_start3A_155 = tpu.memref_squeeze %dma_start3A_154 : memref<1x56x128xf32, #tpu.memory_space<vmem>> -> memref<56x128xf32, #tpu.memory_space<vmem>>
        %dma_start3A_156 = tpu.memref_slice %arg6[%mul3A_151] : memref<8192xi32, #tpu.memory_space<vmem>> -> memref<56xi32, #tpu.memory_space<vmem>>
        %dma_start3A_157 = arith.constant 0 : i32
        %dma_start3A_158 = arith.constant 0 : i32
        %dma_start3A_159 = tpu.memref_slice %arg2[%dma_start3A_157, %dma_start3A_158] : memref<100000x128xf32, #tpu.memory_space<hbm>> -> memref<100000x128xf32, #tpu.memory_space<hbm>>
        tpu.enqueue_indirect_dma source(%dma_start3A_159 : memref<100000x128xf32, #tpu.memory_space<hbm>>) target(%dma_start3A_155 : memref<56x128xf32, #tpu.memory_space<vmem>>) offsets(%dma_start3A_156 : memref<56xi32, #tpu.memory_space<vmem>>) semaphore(%arg8 : memref<!tpu.dma_semaphore, #tpu.memory_space<semaphore_mem>>)
      } else {
      }
    }
    %scan3A_80 = arith.constant 128 : i32
    %dma_wait3A = arith.constant 0 : i32
    %dma_wait3A_81 = arith.constant 0 : i32
    %dma_wait3A_82 = arith.constant 0 : i32
    %dma_wait3A_83 = arith.constant 0 : i32
    %dma_wait3A_84 = tpu.memref_slice %arg7[%dma_wait3A, %dma_wait3A_82, %dma_wait3A_83] : memref<8x56x128xf32, #tpu.memory_space<vmem>> -> memref<1x50x128xf32, #tpu.memory_space<vmem>>
    %dma_wait3A_85 = tpu.memref_squeeze %dma_wait3A_84 : memref<1x50x128xf32, #tpu.memory_space<vmem>> -> memref<50x128xf32, #tpu.memory_space<vmem>>
    %dma_wait3A_86 = arith.constant 0 : i32
    %dma_wait3A_87 = arith.constant 0 : i32
    %dma_wait3A_88 = tpu.memref_slice %arg4[%dma_wait3A_81, %dma_wait3A_86, %dma_wait3A_87] : memref<4096x50x128xf32, #tpu.memory_space<hbm>> -> memref<1x50x128xf32, #tpu.memory_space<hbm>>
    %dma_wait3A_89 = tpu.memref_squeeze %dma_wait3A_88 : memref<1x50x128xf32, #tpu.memory_space<hbm>> -> memref<50x128xf32, #tpu.memory_space<hbm>>
    %dma_wait3A_90 = arith.constant 0 : i32
    %dma_wait3A_91 = arith.constant 0 : i32
    %dma_wait3A_92 = tpu.memref_slice %arg4[%dma_wait3A_81, %dma_wait3A_90, %dma_wait3A_91] : memref<4096x50x128xf32, #tpu.memory_space<hbm>> -> memref<1x50x128xf32, #tpu.memory_space<hbm>>
    %dma_wait3A_93 = tpu.memref_squeeze %dma_wait3A_92 : memref<1x50x128xf32, #tpu.memory_space<hbm>> -> memref<50x128xf32, #tpu.memory_space<hbm>>
    %dma_wait3A_94 = arith.constant 0 : i32
    %dma_wait3A_95 = arith.constant 0 : i32
    %dma_wait3A_96 = tpu.memref_slice %arg7[%dma_wait3A, %dma_wait3A_94, %dma_wait3A_95] : memref<8x56x128xf32, #tpu.memory_space<vmem>> -> memref<1x50x128xf32, #tpu.memory_space<vmem>>
    %dma_wait3A_97 = tpu.memref_squeeze %dma_wait3A_96 : memref<1x50x128xf32, #tpu.memory_space<vmem>> -> memref<50x128xf32, #tpu.memory_space<vmem>>
    tpu.wait_dma2 semaphore(%arg9 : memref<!tpu.dma_semaphore, #tpu.memory_space<semaphore_mem>>) src(%dma_wait3A_97 : memref<50x128xf32, #tpu.memory_space<vmem>>) dst(%dma_wait3A_93 : memref<50x128xf32, #tpu.memory_space<hbm>>)
    return
  }
}

</mosaic_0001>

<sc_bundles>
// kernel: kernel.3.cloned.1.call-start
scs
__scs_entry_jumppad:
0x0: {  	(pc) =	sbr.rel $0x88, $3  }
0x1: {  	(tag) =	ssettag $0x0;
	lr =	simm.s32 $0x1  }
0x2: {  	[smem:$0x3F9F] =	sst lr;
	_ =	strace $0xD0000000  }
0x3: {  	_ = 	snop  }
0x4: {  	_ = 	snop  }
0x5: {  	_ = 	snop  }
0x6: {  	_ = 	snop  }
0x7: {  	_ = 	snop  }
__scs_overlays_trampoline_lowered:
0x8: {  	[smem:$0x3FAE] =	sst s0  }
0x9: {  	[smem:$0x3FAF] =	sst s1  }
0xa: {  	[smem:$0x3FB0] =	sst s2  }
0xb: {  	[smem:$0x3FB1] =	sst s3  }
0xc: {  	[smem:$0x3FB2] =	sst s4  }
0xd: {  	[smem:$0x3FB3] =	sst s5  }
0xe: {  	[smem:$0x3FB4] =	sst s6  }
0xf: {  	[smem:$0x3FB5] =	sst s7  }
0x10: {  	[smem:$0x3FB6] =	sst s8  }
0x11: {  	[smem:$0x3FB7] =	sst s9;
	s0 =	simm.s32 @!p0 $0x0  }
0x12: {  	s1 =	sld [smem:$0x3F9D];
	s0 =	simm.s32 @p0 $0x1  }
0x13: {  	[smem:$0x3FB8] =	sst s0;
	s0 =	simm.s32 @!p1 $0x0  }
0x14: {  	s2 =	sld [smem:$0x3F9C];
	s0 =	simm.s32 @p1 $0x1  }
0x15: {  	[smem:$0x3FB9] =	sst s0;
	s0 =	simm.s32 @!p2 $0x0  }
0x16: {  	s3 =	sld [smem:$0x3FDB];
	s0 =	simm.s32 @p2 $0x1  }
0x17: {  	s4 =	simm.s32 $0x1BF5;
	[smem:$0x3FBB] =	sst s0  }
0x18: {  	s0 =	sld [smem:$0x3F9E];
	_ =	swait.ge [sflag:s4], $0x0  }
0x19: {  	s7 =	sld [smem:$0x3F9F]  }
0x1a: {  	s8 =	sadd.s32 $0xFFFFE003, lr  }
0x1b: {  	s9 =	sadd.s32 $0xFFFFFEF7, lr;
	s5 =	simm.s32 $0xFFFFFFFF;
	p2 =	slt.u32 s8, $0xFFFFF086  }
0x1c: {  	p1 =	slt.u32 s9, $0xF7A;
	s5 =	simm.s32 @!p2 $0x0  }
0x1d: {  	s5 =	simm.s32 @p1 $0x1;
	p0 =	seq.s32 s7, s2  }
0x1e: {  	s7 =	smul.u32 @!p0 $0xF7A, s2;
	p2 =	seq.s32 @!p0 s5, $0x0  }
0x1f: {  	s9 =	smul.u32 $0xF7A, s1;
	s8 =	simm.s32 @!p0 $0x1BF5;
	p2 =	por !p2, p0  }
0x20: {  	[sflag:s8] =	ssyncset.s32 @!p0 $0xFFFFF086;
	s6 =	sadd.s32 @!p0 s3, s7;
	s7 =	simm.s32 @!p0 $0x108  }
0x21: {  	s3 =	sadd.s32 s3, s9;
	s6 =	sadd.s32 @!p0 $0x88, s6;
	s7 =	simm.s32 @p2 $0x1082  }
0x22: {  	[simem:s7], [sflag:s8] =	dma.local @!p0 [hbm:s6], $0xF7A  }
0x23: {  	s9 =	sor.u32 $0xD0000000, s2;
	s6 =	simm.s32 $0x108;
	_ =	swait.ge @!p0 [sflag:s8], $0x0  }
0x24: {  	s3 =	sadd.s32 $0x88, s3;
	s6 =	simm.s32 @!p1 $0x1082;
	[sflag:s4] =	ssyncset.s32 $0xFFFFF086  }
0x25: {  	[simem:s6], [sflag:s4] =	dma.local [hbm:s3], $0xF7A  }
0x26: {  	[smem:$0x3F9F] =	sst s1;
	(tag) =	ssettag s2;
	_ =	strace s9  }
0x27: {  	s1 =	sld [smem:$0x3FAF]  }
0x28: {  	s2 =	sld [smem:$0x3FB0]  }
0x29: {  	s4 =	sld [smem:$0x3FB2]  }
0x2a: {  	p0 =	seq.s32 s5, $0x0;
	s5 =	sld [smem:$0x3FB3]  }
0x2b: {  	s6 =	sld [smem:$0x3FB4]  }
0x2c: {  	s7 =	sld [smem:$0x3FB5]  }
0x2d: {  	s3 =	simm.s32 $0x108;
	s8 =	sld [smem:$0x3FB6]  }
0x2e: {  	s3 =	simm.s32 @!p0 $0x1082;
	s9 =	sld [smem:$0x3FB7]  }
0x2f: {  	lr =	sadd.s32 s0, s3;
	s0 =	sld [smem:$0x3FAE]  }
0x30: {  	s3 =	sld [smem:$0x3FB1]  }
0x31: {  	[smem:$0x3FBA] =	sst s10  }
0x32: {  	s10 =	sld [smem:$0x3FB8];
	_ =	sdelay $0x3  }
0x33: {  	p0 =	seq.s32 s10, $0x1;
	s10 =	sld [smem:$0x3FBA];
	_ =	sdelay $0x3  }
0x34: {  	[smem:$0x3FBA] =	sst s10  }
0x35: {  	s10 =	sld [smem:$0x3FB9];
	_ =	sdelay $0x3  }
0x36: {  	p1 =	seq.s32 s10, $0x1;
	s10 =	sld [smem:$0x3FBA];
	_ =	sdelay $0x3  }
0x37: {  	[smem:$0x3FBA] =	sst s10  }
0x38: {  	s10 =	sld [smem:$0x3FBB]  }
0x39: {  	_ = 	snop;
	(pc) =	sbr.ind lr, $3  }
0x3a: {  	_ = 	snop  }
0x3b: {  	_ = 	snop  }
0x3c: {  	p2 =	seq.s32 s10, $0x1;
	s10 =	sld [smem:$0x3FBA]  }
0x3d: {  	_ =	shalt  }
0x3e: {  	_ =	shalt  }
0x3f: {  	_ =	shalt  }
0x40: {  	_ =	shalt  }
0x41: {  	_ =	shalt  }
0x42: {  	_ =	shalt  }
0x43: {  	_ =	shalt  }
0x44: {  	_ =	shalt  }
0x45: {  	_ =	shalt  }
0x46: {  	_ =	shalt  }
0x47: {  	_ =	shalt  }
0x48: {  	_ =	shalt  }
0x49: {  	_ =	shalt  }
0x4a: {  	_ =	shalt  }
0x4b: {  	_ =	shalt  }
0x4c: {  	_ =	shalt  }
0x4d: {  	_ =	shalt  }
0x4e: {  	_ =	shalt  }
0x4f: {  	_ =	shalt  }
0x50: {  	_ =	shalt  }
0x51: {  	_ =	shalt  }
0x52: {  	_ =	shalt  }
0x53: {  	_ =	shalt  }
0x54: {  	_ =	shalt  }
0x55: {  	_ =	shalt  }
0x56: {  	_ =	shalt  }
0x57: {  	_ =	shalt  }
0x58: {  	_ =	shalt  }
0x59: {  	_ =	shalt  }
0x5a: {  	_ =	shalt  }
0x5b: {  	_ =	shalt  }
0x5c: {  	_ =	shalt  }
0x5d: {  	_ =	shalt  }
0x5e: {  	_ =	shalt  }
0x5f: {  	_ =	shalt  }
0x60: {  	_ =	shalt  }
0x61: {  	_ =	shalt  }
0x62: {  	_ =	shalt  }
0x63: {  	_ =	shalt  }
0x64: {  	_ =	shalt  }
0x65: {  	_ =	shalt  }
0x66: {  	_ =	shalt  }
0x67: {  	_ =	shalt  }
0x68: {  	_ =	shalt  }
0x69: {  	_ =	shalt  }
0x6a: {  	_ =	shalt  }
0x6b: {  	_ =	shalt  }
0x6c: {  	_ =	shalt  }
0x6d: {  	_ =	shalt  }
0x6e: {  	_ =	shalt  }
0x6f: {  	_ =	shalt  }
0x70: {  	_ =	shalt  }
0x71: {  	_ =	shalt  }
0x72: {  	_ =	shalt  }
0x73: {  	_ =	shalt  }
0x74: {  	_ =	shalt  }
0x75: {  	_ =	shalt  }
0x76: {  	_ =	shalt  }
0x77: {  	_ =	shalt  }
0x78: {  	_ =	shalt  }
0x79: {  	_ =	shalt  }
0x7a: {  	_ =	shalt  }
0x7b: {  	_ =	shalt  }
0x7c: {  	_ =	shalt  }
0x7d: {  	_ =	shalt  }
0x7e: {  	_ =	shalt  }
0x7f: {  	_ =	shalt  }
0x80: {  	_ =	shalt  }
0x81: {  	_ =	shalt  }
0x82: {  	_ =	shalt  }
0x83: {  	_ =	shalt  }
0x84: {  	_ =	shalt  }
0x85: {  	_ =	shalt  }
0x86: {  	_ =	shalt  }
0x87: {  	_ =	shalt  }
.Lfunc_end0:
.L_simem_size_0:
called_computation_lowered:
.L_overlay_start_0:
0x88: {  	s2 =	sld [smem:$0x3FD9]  }
0x89: {  	s3 =	sld [smem:$0x3FFE];
	_ =	sdelay $0x1  }
0x8a: {  	s1 =	srdreg.scid  }
0x8b: {  	s0 =	sand.u32 $0x1, s1  }
0x8c: {  	s17 =	sshll.u32 s0, $0xA;
	s2 =	sadd.s32 s3, s2  }
0x8d: {  	s2 =	sadd.s32 s2, s17  }
0x8e: {  	[smem:$0x3FC6] =	sst s2  }
0x8f: {  	_ = 	snop  }
0x90: {  	s2 =	sld [smem:$0x3FC8]  }
0x91: {  	s18 =	sld [smem:$0x3FD0];
	(tm) =	ssettm $0x1  }
0x92: {  	s4 =	sld [smem:$0x3FFB];
	_ =	sdelay $0x3  }
0x93: {  	_ =	strace s4  }
0x94: {  	s4 =	sld [smem:$0x3FFC];
	_ =	sdelay $0x3  }
0x95: {  	_ =	strace s4  }
0x96: {  	s4 =	sld [smem:$0x3FFD];
	_ =	sdelay $0x3  }
0x97: {  	_ =	strace s4  }
0x98: {  	_ =	strace $0x8FFFFFFF  }
0x99: {  	s19 =	sld [smem:$0x3FDB];
	_ =	sdelay $0x1  }
0x9a: {  	s5 =	simm.s32 $_scs_section_size  }
0x9b: {  	s6 =	simm.s32 $_size__tile_overlayer_lowered;
	s7 =	simm.s32 $_tile_overlayer_lowered  }
0x9c: {  	s22 =	simm.s32 $0x1BFF;
	s21 =	sshll.u32 s7, $0x1;
	s4 =	sadd.s32 s5, s19  }
0x9d: {  	s8 =	simm.s32 $0x0;
	s20 =	sshll.u32 s6, $0x1;
	s6 =	sadd.s32 s21, s4  }
0x9e: {  	[timem:s8], [sflag:s22] =	dma.local [hbm:s6], s20  }
0x9f: {  	_ =	swait.ge [sflag:s22], s20  }
0xa0: {  	s5 =	ssub.s32 $0x0, s20;
	[sflag:s22] =	ssyncset.done $0x0  }
0xa1: {  	[sflag:s22] =	ssyncadd.s32 s5;
	_ =	sdelay $0x1  }
0xa2: {  	s23 =	simm.s32 $0x1B8B  }
0xa3: {  	_ =	swait.ge [sflag:s23], $0x1  }
0xa4: {  	[sflag:s23] =	ssyncset.done $0x0  }
0xa5: {  	s25 =	simm.s32 $0x1B8E;
	s24 =	sld [smem:$0x3FFE];
	[sflag:s23] =	ssyncadd.s32 $0xFFFFFFFF  }
0xa6: {  	s26 =	simm.s32 $execute0_lowered;
	[smem:$0x3FD2] =	sst s25  }
0xa7: {  	s6 =	sshll.u32 s26, $0x1;
	_ =	strace $0x80000046;
	[dreg:$0x1] =	wrdreg $0xFFFFFFFF  }
0xa8: {  	s28 =	simm.s32 $_size_execute0_lowered;
	s4 =	sadd.s32 s4, s6;
	[dreg:$0x0] =	wrdreg $0x0  }
0xa9: {  	s6 =	sshll.u32 s28, $0x1;
	[dreg:$0x2] =	wrdreg s4  }
0xaa: {  	[dreg:$0x3] =	wrdreg s6  }
0xab: {  	[dreg:$0x4] =	wrdreg $0xC0  }
0xac: {  	_ =	task [dreg:s8], $0x5FFFF  }
0xad: {  	[dreg:$0x1] =	wrdreg $0xFFFFFFFF  }
0xae: {  	[dreg:$0x0] =	wrdreg $0x60  }
0xaf: {  	[dreg:$0x2] =	wrdreg s2  }
0xb0: {  	[dreg:$0x3] =	wrdreg s18  }
0xb1: {  	[dreg:$0x4] =	wrdreg s24  }
0xb2: {  	[dreg:$0x5] =	wrdreg $0x9  }
0xb3: {  	_ =	task.clear_ibuf [dreg:s8], $0x6FFFF;
	_ =	strace $0x90000046  }
0xb4: {  	s29 =	simm.s32 $0x9;
	_ =	strace $0x80000048  }
0xb5: {  	_ =	swait.ge [sflag:s29], $0x1  }
0xb6: {  	[sflag:s29] =	ssyncadd.s32 $0xFFFFFFFF  }
0xb7: {  	_ =	strace $0x90000048  }
0xb8: {  	_ =	sfence  }
0xb9: {  	s30 =	sld [smem:$0x0];
	_ =	sdelay $0x2  }
0xba: {  	s31 =	sshll.u32 s1, $0xD;
	s1 =	sshrl.u32 s1, $0x2  }
0xbb: {  	s3 =	sand.u32 $0x4000, s31;
	s1 =	sadd.s32 s1, s30  }
0xbc: {  	s0 =	sor.u32 s3, s0;
	s1 =	sshll.u32 s1, $0x11  }
0xbd: {  	s0 =	sor.u32 s1, s0  }
0xbe: {  	s0 =	sadd.s32 $0x8F2B, s0  }
0xbf: {  	[sflag:s0] =	ssyncadd.remote.s32 $0x1  }
0xc0: {  	_ =	sfence.sel $0xFFFF  }
0xc1: {  	[dreg:$0x0] =	wrdreg $0xFFFFFFFF;
	(pc) =	sbr.abs _section_cstart, $3  }
0xc2: {  	[dreg:$0x1] =	wrdreg $0xFFFFFFFF  }
0xc3: {  	_ =	task.clear_ibuf [dreg:s8], $0x2FFFF;
	_ =	strace $0x9FFFFFFF  }
0xc4: {  	(tm) =	ssettm $0x7FFFFFFF  }
0xc5: {  	_ =	shalt  }
tec
execute0_lowered:
.L_overlay_start_1:
0x0: {  	(tag) =	ssettag $0x1  }
0x1: {  	s1 =	rddreg [dreg:$0x0]  }
0x2: {  	s0 =	rddreg [dreg:$0x1]  }
0x3: {  	s3 =	rddreg [dreg:$0x2];
	s2 =	simm.s32 $0x0  }
0x4: {  	s4 =	srdreg.scid;
	s8 =	stileid.u32;
	s11 =	simm.s32 $0x6000  }
0x5: {  	s15 =	simm.s32 $0x9800;
	s16 =	simm.s32 $0x40C0;
	s17 =	simm.s32 $0xB400  }
0x6: {  	s18 =	simm.s32 $0x4100;
	s19 =	simm.s32 $0xD000;
	s20 =	simm.s32 $0x4140  }
0x7: {  	s21 =	simm.s32 $0xEC00;
	s22 =	simm.s32 $0x4180;
	s23 =	simm.s32 $0x10800  }
0x8: {  	s24 =	simm.s32 $0x1;
	s25 =	simm.s32 $0x41C0;
	s28 =	simm.s32 $0x2  }
0x9: {  	s29 =	simm.s32 $0x0;
	[smem:$0x7FF] =	sst s2;
	s4 =	sand.u32 $0x1, s4  }
0xa: {  	s3 =	sadd.s32 $0x400, s3;
	s6 =	sshll.u32 s8, $0x8;
	s8 =	smul.u32 $0x38000, s8  }
0xb: {  	_ =	strace $0x80000047;
	s5 =	ssub.s32 $0x2, s4;
	s7 =	sshll.u32 s4, $0x7  }
0xc: {  	s26 =	smul.u32 $0x1C000, s4;
	s9 =	sshrl.u32 s5, $0x1;
	s6 =	sor.u32 s7, s6  }
0xd: {  	s8 =	sadd.s32 s8, s3;
	s30 =	sshll.u32 s6, $0x4;
	s6 =	smul.u32 $0x380, s6  }
0xe: {  	s5 =	ssub.s32 s5, s9;
	s31 =	sadd.s32 s26, s8;
	s8 =	simm.s32 $0x3  }
0xf: {  	s9 =	simm.s32 $0x38;
	s26 =	simm.s32 $0x12400;
	s4 =	sadd.s32 s0, s30  }
0x10: {  	s5 =	smax.u32 s5, $0x1;
	s7 =	sadd.s32 $0x380, s31;
	s6 =	sadd.s32 s3, s6  }
.LBB2_1:
0x11: {  	[tilespmem:s2], [sflag:$0x3] =	stream.linear.gather [hbm4b:s4+s2], $0x4000, $0x38;
	[tilespmem:$0x14000] =	vst v63  }
0x12: {  	_ =	swait.ge [sflag:s8], $0x4000  }
0x13: {  	[sflag:s8] =	ssyncset.done $0x0  }
0x14: {  	s0 =	simm.s32 $0x0;
	[sflag:s8] =	ssyncadd.s32 $0xFFFFC000  }
0x15: {  	v0 =	vld [tilespmem:s0+$0x0];
	_ =	sdelay $0x3  }
0x16: {  	s30 =	simm.s32 $0x4020  }
0x17: {  	[tilespmem:s30+$0xFFFFFFE0] =	vst v0  }
0x18: {  	v0 =	vld [tilespmem:s0+$0x10];
	_ =	sdelay $0x4  }
0x19: {  	[tilespmem:s30+$0xFFFFFFF0] =	vst v0  }
0x1a: {  	v0 =	vld [tilespmem:s0+$0x20];
	_ =	sdelay $0x4  }
0x1b: {  	[tilespmem:s30+$0x0] =	vst v0  }
0x1c: {  	v0 =	vld [tilespmem:s0+$0x30];
	_ =	sdelay $0x4  }
0x1d: {  	s31 =	simm.s32 $0x80;
	s0 =	simm.s32 $0x400;
	[tilespmem:s30+$0x10] =	vst v0  }
.LBB2_2:
0x1e: {  	p0 =	sne.s32 s0, $0xFE00;
	v0 =	vld [tilespmem:s31+$0x0];
	_ =	sdelay $0x3  }
0x1f: {  	s30 =	sadd.s32 $0x40, s30  }
0x20: {  	[tilespmem:s30+$0xFFFFFFE0] =	vst v0  }
0x21: {  	v0 =	vld [tilespmem:s31+$0x10];
	_ =	sdelay $0x4  }
0x22: {  	[tilespmem:s30+$0xFFFFFFF0] =	vst v0  }
0x23: {  	v0 =	vld [tilespmem:s31+$0x20];
	_ =	sdelay $0x4  }
0x24: {  	[tilespmem:s30+$0x0] =	vst v0  }
0x25: {  	v0 =	vld [tilespmem:s31+$0x30]  }
.Ltmp0:
0x26: {  	(pc) =	sbr.rel @p0 .LBB2_2-.Ltmp0, $2  }
0x27: {  	_ =	sdelay $0x2  }
0x28: {  	s31 =	sshra.s32 s0, $0x2;
	s0 =	sadd.s32 $0x200, s0;
	[tilespmem:s30+$0x10] =	vst v0  }
0x29: {  	v0 =	vld [tilespmem:s31+$0x0];
	_ =	sdelay $0x3  }
0x2a: {  	s0 =	sadd.s32 $0x40, s30  }
0x2b: {  	[tilespmem:s0+$0xFFFFFFE0] =	vst v0  }
0x2c: {  	v0 =	vld [tilespmem:s31+$0x10];
	_ =	sdelay $0x4  }
0x2d: {  	[tilespmem:s0+$0xFFFFFFF0] =	vst v0  }
0x2e: {  	v0 =	vld [tilespmem:s31+$0x20];
	_ =	sdelay $0x4  }
0x2f: {  	[tilespmem:s0+$0x0] =	vst v0  }
0x30: {  	v0 =	vld [tilespmem:s31+$0x30];
	_ =	sdelay $0x4  }
0x31: {  	s10 =	simm.s32 $0x4000;
	[tilespmem:s0+$0x10] =	vst v0  }
0x32: {  	[tilespmem:s11], [sflag:$0x1] =	stream.indirect.gather [hbm4b:s1+s9], $0x80, s10, s9, $0xb8;
	[tilespmem:$0x14000] =	vst v63  }
0x33: {  	s12 =	simm.s32 $0x4040;
	s3 =	simm.s32 $0x7C00  }
0x34: {  	[tilespmem:s3], [sflag:$0x1] =	stream.indirect.gather [hbm4b:s1+s9], $0x80, s12, s9, $0xb8;
	[tilespmem:$0x14000] =	vst v63  }
0x35: {  	s13 =	simm.s32 $0x4080  }
0x36: {  	[tilespmem:s15], [sflag:$0x1] =	stream.indirect.gather [hbm4b:s1+s9], $0x80, s13, s9, $0xb8;
	[tilespmem:$0x14000] =	vst v63  }
0x37: {  	_ = 	snop  }
0x38: {  	[tilespmem:s17], [sflag:$0x1] =	stream.indirect.gather [hbm4b:s1+s9], $0x80, s16, s9, $0xb8;
	[tilespmem:$0x14000] =	vst v63  }
0x39: {  	_ = 	snop  }
0x3a: {  	[tilespmem:s19], [sflag:$0x1] =	stream.indirect.gather [hbm4b:s1+s9], $0x80, s18, s9, $0xb8;
	[tilespmem:$0x14000] =	vst v63  }
0x3b: {  	_ = 	snop  }
0x3c: {  	[tilespmem:s21], [sflag:$0x1] =	stream.indirect.gather [hbm4b:s1+s9], $0x80, s20, s9, $0xb8;
	[tilespmem:$0x14000] =	vst v63  }
0x3d: {  	_ = 	snop  }
0x3e: {  	[tilespmem:s23], [sflag:$0x1] =	stream.indirect.gather [hbm4b:s1+s9], $0x80, s22, s9, $0xb8;
	[tilespmem:$0x14000] =	vst v63  }
0x3f: {  	_ =	swait.ge [sflag:s24], $0x1C00  }
0x40: {  	s14 =	simm.s32 $0x1;
	[sflag:s24] =	ssyncset.done $0x0  }
0x41: {  	s0 =	sand.u32 $0x7, s14;
	[sflag:s24] =	ssyncadd.s32 $0xFFFFE400  }
0x42: {  	[hbm4b:s6+s2] =	stream.linear.scatter [tilespmem:s11], [sflag:$0x2], $0x1900, $0x38;
	[tilespmem:$0x14000] =	vst v63  }
0x43: {  	s0 =	smul.u32 $0x7000, s0  }
0x44: {  	[tilespmem:s26], [sflag:$0x1] =	stream.indirect.gather [hbm4b:s1+s9], $0x80, s25, s9, $0xb8;
	[tilespmem:$0x14000] =	vst v63  }
0x45: {  	p0 =	por $0x0, $0x0;
	s3 =	simm.s32 $0x8;
	_ =	swait.ge [sflag:s24], $0x1C00  }
0x46: {  	s0 =	sshrl.u32 s0, $0x2;
	s3 =	sand.u32 @!p0 $0x7, s3;
	[sflag:s24] =	ssyncset.done $0x0  }
0x47: {  	s0 =	sadd.s32 $0x6000, s0;
	s10 =	smul.u32 @!p0 $0x7000, s3;
	[sflag:s24] =	ssyncadd.s32 $0xFFFFE400  }
0x48: {  	[hbm4b:s7+s2] =	stream.linear.scatter [tilespmem:s0], [sflag:$0x2], $0x1900, $0x38;
	[tilespmem:$0x14000] =	vst v63  }
0x49: {  	s30 =	simm.s32 $0x4200;
	s31 =	simm.s32 $0x9;
	_ =	swait.ge [sflag:s28], $0x1900  }
0x4a: {  	s3 =	sadd.s32 $0x380, s7;
	s12 =	sshrl.u32 @!p0 s10, $0x2;
	[sflag:s28] =	ssyncset.done $0x0  }
0x4b: {  	s10 =	simm.s32 @!p0 $0x38;
	s0 =	simm.s32 $0x4240;
	[sflag:s28] =	ssyncadd.s32 $0xFFFFE700  }
.LBB2_4:
0x4c: {  	s13 =	sadd.s32 $0xFFFFFFF9, s31  }
0x4d: {  	s12 =	sadd.s32 @!p0 $0x6000, s12;
	s14 =	smov.u32 s31;
	s31 =	sadd.s32 $0x1, s31  }
0x4e: {  	[tilespmem:s12], [sflag:$0x1] =	stream.indirect.gather @!p0 [hbm4b:s1+s10], $0x80, s30, s10, $0xb8;
	[tilespmem:$0x14000] =	vst v63  }
0x4f: {  	s10 =	sand.u32 $0x7, s13;
	p1 =	sne.s32 s31, $0x87;
	s30 =	smov.u32 s0  }
0x50: {  	s10 =	smul.u32 $0x7000, s10  }
0x51: {  	p0 =	sgt.u32 s13, $0x78;
	_ =	swait.ge [sflag:s24], $0x1C00  }
0x52: {  	s12 =	sand.u32 @!p0 $0x7, s14;
	s10 =	sshrl.u32 s10, $0x2;
	[sflag:s24] =	ssyncset.done $0x0  }
.Ltmp1:
0x53: {  	s10 =	sadd.s32 $0x6000, s10;
	[sflag:s24] =	ssyncadd.s32 $0xFFFFE400;
	(pc) =	sbr.rel @p1 .LBB2_4-.Ltmp1, $4  }
0x54: {  	[hbm4b:s3+s2] =	stream.linear.scatter [tilespmem:s10], [sflag:$0x2], $0x1900, $0x38;
	[tilespmem:$0x14000] =	vst v63  }
0x55: {  	s10 =	smul.u32 @!p0 $0x7000, s12;
	_ =	swait.ge [sflag:s28], $0x1900  }
0x56: {  	s0 =	sadd.s32 $0x40, s0;
	s3 =	sadd.s32 $0x380, s3;
	[sflag:s28] =	ssyncset.done $0x0  }
0x57: {  	s12 =	sshrl.u32 @!p0 s10, $0x2;
	s10 =	simm.s32 @!p0 $0x38;
	[sflag:s28] =	ssyncadd.s32 $0xFFFFE700  }
0x58: {  	s0 =	sadd.s32 @!p0 $0x6000, s12;
	s29 =	sadd.s32 $0x1, s29  }
0x59: {  	[tilespmem:s0], [sflag:$0x1] =	stream.indirect.gather @!p0 [hbm4b:s1+s10], $0x80, s30, s10, $0xb8;
	[tilespmem:$0x14000] =	vst v63  }
0x5a: {  	p0 =	sne.s32 s29, s5  }
.Ltmp2:
0x5b: {  	_ = 	snop;
	(pc) =	sbr.rel @p0 .LBB2_1-.Ltmp2, $4  }
0x5c: {  	_ = 	snop  }
0x5d: {  	_ =	swait.ge [sflag:s28], $0x1900  }
0x5e: {  	[sflag:s28] =	ssyncset.done $0x0  }
0x5f: {  	[sflag:s28] =	ssyncadd.s32 $0xFFFFE700  }
0x60: {  	_ =	sfence.sel $0x180000  }
0x61: {  	[bflag:$0x0] =	sbarrier.arrive $0xFFFF  }
0x62: {  	_ =	strace $0x90000047  }
0x63: {  	s0 =	stileid.u32;
	[bflag:$0x2] =	sbarrier.arrive $0xFFFF  }
0x64: {  	p0 =	sne.s32 s0, $0x0;
	s0 =	rddreg [dreg:$0x3]  }
0x65: {  	s0 =	sadd.s32 @!p0 $0x100000, s0  }
0x66: {  	[sflag:s0] =	ssyncadd.tile.s32 @!p0 $0x1;
	_ =	shalt  }
.Lfunc_end2:
_tile_overlayer_lowered:
.L_overlay_start_2:
0x67: {  	(tag) =	ssettag $0x2  }
0x68: {  	s0 =	rddreg [dreg:$0x0];
	s2 =	stileid.u32  }
0x69: {  	s1 =	rddreg [dreg:$0x1];
	p0 =	sne.s32 s2, $0x0  }
0x6a: {  	s3 =	rddreg [dreg:$0x2];
	[bflag:$0x3] =	sbarrier.arrive $0xFFFF;
	s2 =	simm.s32 @!p0 $0x1C03  }
0x6b: {  	[timem:s3], [sflag:s2] =	dma.local @!p0 [hbm:s0], s1  }
0x6c: {  	s0 =	simm.s32 @!p0 $0x3  }
0x6d: {  	_ =	swait.ge @!p0 [sflag:s0], s1  }
0x6e: {  	s1 =	ssub.s32 @!p0 $0x0, s1;
	[sflag:s0] =	ssyncset.done @!p0 $0x0  }
0x6f: {  	[sflag:s0] =	ssyncadd.s32 @!p0 s1  }
0x70: {  	[bflag:$0x3] =	sbarrier.arrive $0xFFFF  }
0x71: {  	_ =	shalt  }

</sc_bundles>
